<compile_context>
chip_gen: v7x
topology: tpu7x:2x2x1
jax: 0.10.2.dev20260603
libtpu: 0.0.44.dev20260713+nightly
codegen_flags: <defaults>
</compile_context>

<pallas_src>
import functools

import jax
import jax.numpy as jnp
from jax import lax
from jax.experimental import pallas as pl
from jax.experimental.pallas import tpu as pltpu
from jax.experimental.pallas import tpu_sc as plsc

N0, N1, N2 = 10000, 2500, 625
E0, E1, E2 = 320000, 80000, 20000
D = 128
NC, NS = 2, 16
NT = NC * NS
CH = 128

N0P, N1P, N2P = 10240, 2560, 640


def _pad_amount(e, m):
    return (m - e % m) % m


def _chunks(total, ch):
    out = []
    off = 0
    while off < total:
        sz = min(ch, total - off)
        out.append((off, sz))
        off += sz
    return out


def _sc_mesh():
    return plsc.VectorSubcoreMesh(core_axis_name="c", subcore_axis_name="s",
                                  num_cores=NC, num_subcores=NS)



@functools.partial(jax.jit, static_argnames=("npad", "width", "constant_rows"))
def _sc_scatter_partials(x, src, dst, npad, width, constant_rows=False):
    ep = dst.shape[0] - CH
    ept = ep // NT
    chunk_list = _chunks(ept, CH)
    rpt = npad // NS
    zero_chunks = _chunks(rpt, CH)

    scratch = [
        pltpu.VMEM_SHARED((npad, width), jnp.float32),
        pltpu.VMEM((CH, width), jnp.float32),
        pltpu.VMEM((CH, width), jnp.float32),
        pltpu.VMEM((CH,), jnp.int32),
        pltpu.VMEM((CH,), jnp.int32),
        pltpu.VMEM((CH,), jnp.int32),
        pltpu.VMEM((CH,), jnp.int32),
        pltpu.SemaphoreType.DMA,
        pltpu.SemaphoreType.DMA,
        pltpu.SemaphoreType.DMA,
    ]
    rem = chunk_list[-1][1] if chunk_list[-1][1] != CH else 0
    if rem:
        scratch += [
            pltpu.VMEM((rem, width), jnp.float32),
            pltpu.VMEM((rem,), jnp.int32),
            pltpu.VMEM((rem,), jnp.int32),
        ]

    @functools.partial(
        pl.kernel,
        out_type=jax.ShapeDtypeStruct((NC, npad, width), jnp.float32),
        mesh=_sc_mesh(),
        scratch_types=scratch,
    )
    def k(x_h, src_h, dst_h, z_h, out_h, acc, rows_v, rows_w, src_v, src_w,
          dst_v, dst_w, sem, semb, sem2, *rest):
        c = lax.axis_index("c")
        s = lax.axis_index("s")
        tid = c * NS + s
        pltpu.sync_copy(z_h, rows_v)
        for off, sz in zero_chunks:
            if sz == CH:
                pltpu.sync_copy(rows_v, acc.at[pl.ds(s * rpt + off, CH)])
            else:
                pltpu.sync_copy(rows_v.at[pl.ds(0, sz)],
                                acc.at[pl.ds(s * rpt + off, sz)])
        if constant_rows:
            pltpu.sync_copy(x_h, rows_v)
            if rem:
                pltpu.sync_copy(x_h.at[pl.ds(0, rem)], rest[0])
        plsc.subcore_barrier()

        base = tid * ept
        nfull = sum(1 for _, sz in chunk_list if sz == CH)
        npair = nfull // 2
        if nfull:
            if not constant_rows:
                pltpu.sync_copy(src_h.at[pl.ds(base, CH)], src_v)

            def single(b):
                gd = pltpu.async_copy(x_h.at[src_v], rows_v, sem)
                pltpu.sync_copy(dst_h.at[pl.ds(b, CH)], dst_v)
                gd.wait()
                sd = pltpu.async_copy(src_h.at[pl.ds(b + CH, CH)], src_v, sem2)
                pltpu.sync_copy(rows_v, acc.at[dst_v], add=True)
                sd.wait()

            if constant_rows:
                @pl.loop(0, nfull)
                def _(i):
                    b = base + i * CH
                    pltpu.sync_copy(dst_h.at[pl.ds(b, CH)], dst_v)
                    pltpu.sync_copy(rows_v, acc.at[dst_v], add=True)
            else:
                if npair:
                    @pl.loop(0, npair)
                    def _(j):
                        b = base + 2 * j * CH
                        gda = pltpu.async_copy(x_h.at[src_v], rows_v, sem)
                        pltpu.sync_copy(dst_h.at[pl.ds(b, CH)], dst_v)
                        pltpu.sync_copy(src_h.at[pl.ds(b + CH, CH)], src_w)
                        gda.wait()
                        gdb = pltpu.async_copy(x_h.at[src_w], rows_w, semb)
                        sd = pltpu.async_copy(
                            src_h.at[pl.ds(b + 2 * CH, CH)], src_v, sem2)
                        pltpu.sync_copy(dst_h.at[pl.ds(b + CH, CH)], dst_w)
                        pltpu.sync_copy(rows_v, acc.at[dst_v], add=True)
                        gdb.wait()
                        pltpu.sync_copy(rows_w, acc.at[dst_w], add=True)
                        sd.wait()
                if nfull % 2:
                    single(base + (nfull - 1) * CH)
        if rem:
            rows_r, src_r, dst_r = rest
            b = base + nfull * CH
            if not constant_rows:
                pltpu.sync_copy(src_h.at[pl.ds(b, rem)], src_r)
                pltpu.async_copy(x_h.at[src_r], rows_r, sem).wait()
            pltpu.sync_copy(dst_h.at[pl.ds(b, rem)], dst_r)
            pltpu.sync_copy(rows_r, acc.at[dst_r], add=True)
        plsc.subcore_barrier()
        pltpu.sync_copy(acc.at[pl.ds(s * rpt, rpt)],
                        out_h.at[c, pl.ds(s * rpt, rpt)])

    z = jnp.zeros((CH, width), jnp.float32)
    return k(x, src, dst, z)


@functools.partial(jax.jit, static_argnames=("npad",))
def _sc_count(dst, npad):
    ones = jnp.ones((CH, 128), jnp.float32)
    return _sc_scatter_partials(ones, dst, dst, npad, 128, constant_rows=True)


@functools.partial(jax.jit, static_argnames=())
def _sc_take(x, idx):
    mp = idx.shape[0]
    rpt = mp // NT
    chunk_list = _chunks(rpt, CH)
    rem = chunk_list[-1][1] if chunk_list[-1][1] != CH else 0

    scratch = [
        pltpu.VMEM((CH, D), jnp.float32),
        pltpu.VMEM((CH,), jnp.int32),
        pltpu.SemaphoreType.DMA,
    ]
    if rem:
        scratch += [pltpu.VMEM((rem, D), jnp.float32), pltpu.VMEM((rem,), jnp.int32)]

    @functools.partial(
        pl.kernel,
        out_type=jax.ShapeDtypeStruct((mp, D), jnp.float32),
        mesh=_sc_mesh(),
        scratch_types=scratch,
    )
    def k(x_h, idx_h, out_h, rows_v, idx_v, sem, *rest):
        c = lax.axis_index("c")
        s = lax.axis_index("s")
        base = (c * NS + s) * rpt
        nfull = sum(1 for _, sz in chunk_list if sz == CH)
        if nfull:
            @pl.loop(0, nfull)
            def _(i):
                b = base + i * CH
                pltpu.sync_copy(idx_h.at[pl.ds(b, CH)], idx_v)
                pltpu.async_copy(x_h.at[idx_v], rows_v, sem).wait()
                pltpu.sync_copy(rows_v, out_h.at[pl.ds(b, CH)])
        if rem:
            rows_r, idx_r = rest
            b = base + nfull * CH
            pltpu.sync_copy(idx_h.at[pl.ds(b, rem)], idx_r)
            pltpu.async_copy(x_h.at[idx_r], rows_r, sem).wait()
            pltpu.sync_copy(rows_r, out_h.at[pl.ds(b, rem)])

    return k(x, idx)



def _blk_rows(npad):
    return 512 if npad % 512 == 0 else 320


def _tc_conv(xs, ps, cnt, w, b, relu=True):
    P = len(xs)
    npad = xs[0].shape[0]
    R = _blk_rows(npad)
    grid = (npad // R,)

    def body(*refs):
        x_refs = refs[:P]
        p_refs = refs[P:2 * P]
        cnt_ref, w_ref, b_ref, o_ref = refs[2 * P:]
        deg = jnp.sum(cnt_ref[...], axis=0)
        invd = 1.0 / jnp.maximum(deg, 1.0)
        acc = None
        for p in range(P):
            mean = jnp.sum(p_refs[p][...], axis=0) * invd
            a = x_refs[p][...] + mean
            t = jnp.dot(a, w_ref[p * 128:(p + 1) * 128, :],
                        preferred_element_type=jnp.float32)
            acc = t if acc is None else acc + t
        acc = acc + b_ref[0:1, :]
        o_ref[...] = jnp.maximum(acc, 0.0) if relu else acc

    in_specs = (
        [pl.BlockSpec((R, 128), lambda i: (i, 0)) for _ in range(P)]
        + [pl.BlockSpec((2, R, 128), lambda i: (0, i, 0)) for _ in range(P)]
        + [pl.BlockSpec((2, R, 128), lambda i: (0, i, 0)),
           pl.BlockSpec((P * 128, 128), lambda i: (0, 0)),
           pl.BlockSpec((8, 128), lambda i: (0, 0))]
    )
    return pl.pallas_call(
        body,
        grid=grid,
        in_specs=in_specs,
        out_specs=pl.BlockSpec((R, 128), lambda i: (i, 0)),
        out_shape=jax.ShapeDtypeStruct((npad, 128), jnp.float32),
    )(*xs, *ps, cnt, w, b)


def _tc_scale(p, cnt):
    npad = p.shape[1]
    R = _blk_rows(npad)
    grid = (npad // R,)

    def body(p_ref, cnt_ref, o_ref):
        s = jnp.sum(p_ref[...], axis=0)
        deg = jnp.sum(cnt_ref[...], axis=0)
        o_ref[...] = s / jnp.maximum(deg, 1.0)

    return pl.pallas_call(
        body,
        grid=grid,
        in_specs=[pl.BlockSpec((2, R, 128), lambda i: (0, i, 0)),
                  pl.BlockSpec((2, R, 128), lambda i: (0, i, 0))],
        out_specs=pl.BlockSpec((R, 128), lambda i: (i, 0)),
        out_shape=jax.ShapeDtypeStruct((npad, 128), jnp.float32),
    )(p, cnt)



def _pad_edges(e, ep, dst_pad):
    n = e.shape[1]
    src = jnp.concatenate([e[0].astype(jnp.int32),
                           jnp.zeros((ep - n,), jnp.int32)])
    dst = jnp.concatenate([e[1].astype(jnp.int32),
                           jnp.full((ep - n,), dst_pad, jnp.int32)])
    return src, dst


def _pad_idx(idx, mp, fill):
    return jnp.concatenate([idx.astype(jnp.int32),
                            jnp.full((mp - idx.shape[0],), fill, jnp.int32)])


def _pad_w(w):
    din, dout = w.shape
    return jnp.pad(w, ((0, _pad_amount(din, 128)), (0, _pad_amount(dout, 128))))


def _pad_b(b):
    bp = jnp.pad(b, (0, _pad_amount(b.shape[0], 128)))
    return jnp.broadcast_to(bp[None, :], (8, bp.shape[0]))


def _edge_pad_len(e):
    return e + _pad_amount(e, NT * 8) + CH


def _conv(x_parts, src, dst, cnt, w, b, npad):
    ps = [_sc_scatter_partials(xp, src, dst, npad, 128) for xp in x_parts]
    return _tc_conv(x_parts, ps, cnt, _pad_w(w), _pad_b(b))


def kernel(norm, geo, e0, e1, e2, cluster1, cluster2, Ws, bs):
    x = jnp.concatenate([norm, geo[:, None]], axis=1)
    x = jnp.pad(x, ((0, N0P - N0), (0, 128 - 4)))

    s0, d0 = _pad_edges(e0, _edge_pad_len(E0), N0)
    s1, d1 = _pad_edges(e1, _edge_pad_len(E1), N1)
    s2, d2 = _pad_edges(e2, _edge_pad_len(E2), N2)
    cl1 = _pad_idx(cluster1, N0P, 0)
    cl2 = _pad_idx(cluster2, N1P, 0)
    p1e = _edge_pad_len(N0)
    p2e = _edge_pad_len(N1)
    pool1_src = _pad_idx(jnp.arange(N0, dtype=jnp.int32), p1e, 0)
    pool1_dst = _pad_idx(cluster1, p1e, N1)
    pool2_src = _pad_idx(jnp.arange(N1, dtype=jnp.int32), p2e, 0)
    pool2_dst = _pad_idx(cluster2, p2e, N2)

    cnt_e0 = _sc_count(d0, N0P)
    cnt_e1 = _sc_count(d1, N1P)
    cnt_e2 = _sc_count(d2, N2P)
    cnt_c1 = _sc_count(pool1_dst, N1P)
    cnt_c2 = _sc_count(pool2_dst, N2P)

    x = _conv([x], s0, d0, cnt_e0, Ws[0], bs[0], N0P)
    x = _conv([x], s0, d0, cnt_e0, Ws[1], bs[1], N0P)
    copy0 = x
    p = _sc_scatter_partials(x, pool1_src, pool1_dst, N1P, 128)
    x = _tc_scale(p, cnt_c1)
    x = _conv([x], s1, d1, cnt_e1, Ws[2], bs[2], N1P)
    x = _conv([x], s1, d1, cnt_e1, Ws[3], bs[3], N1P)
    copy1 = x
    p = _sc_scatter_partials(x, pool2_src, pool2_dst, N2P, 128)
    x = _tc_scale(p, cnt_c2)
    x = _conv([x], s2, d2, cnt_e2, Ws[4], bs[4], N2P)
    x = _conv([x], s2, d2, cnt_e2, Ws[5], bs[5], N2P)

    up = _sc_take(x, cl2)
    x = _conv([up, copy1], s1, d1, cnt_e1, Ws[6], bs[6], N1P)
    for i in range(7, 10):
        x = _conv([x], s1, d1, cnt_e1, Ws[i], bs[i], N1P)

    up = _sc_take(x, cl1)
    x = _conv([up, copy0], s0, d0, cnt_e0, Ws[10], bs[10], N0P)
    x = _conv([x], s0, d0, cnt_e0, Ws[11], bs[11], N0P)
    x = _conv([x], s0, d0, cnt_e0, Ws[12], bs[12], N0P)
    x = _conv([x], s0, d0, cnt_e0, Ws[13], bs[13], N0P)

    return x[:N0, 0]

# --- scband reference (transcript-rebuilt; emitter-appended) ---
"""Pipeline reference for scband-baseline-architecture-21406117003591 (READ-ONLY COPY).

The authoritative reference and input builder live on the scoring server;
editing this copy changes nothing except your own understanding.
"""

import jax, jax.numpy as jnp
import numpy as np

N0, N1, N2 = 10000, 2500, 625
E0, E1, E2 = 320000, 80000, 20000
D = 128

_DIMS = [(4, D), (D, D), (D, D), (D, D), (D, D), (D, D), (2 * D, D), (D, D), (D, D), (D, D), (2 * D, D), (D, D), (D, D), (D, 1)]


def _conv(x, edge_index, W, b):
    src = edge_index[0]
    dst = edge_index[1]
    n = x.shape[0]
    msg = jnp.take(x, src, axis=0)
    agg = jax.ops.segment_sum(msg, dst, num_segments=n)
    deg = jax.ops.segment_sum(jnp.ones((src.shape[0],), dtype=x.dtype), dst, num_segments=n)
    mean = agg / jnp.maximum(deg, 1.0)[:, None]
    return jax.nn.relu((x + mean) @ W + b)


def _pool(x, cluster, n_out):
    s = jax.ops.segment_sum(x, cluster, num_segments=n_out)
    c = jax.ops.segment_sum(jnp.ones((x.shape[0],), dtype=x.dtype), cluster, num_segments=n_out)
    return s / jnp.maximum(c, 1.0)[:, None]


def setup_inputs(seed: int = 0) -> dict:
    key = jax.random.key(seed)
    ks = jax.random.split(key, 8 + 2 * len(_DIMS))
    norm = jax.random.normal(ks[0], (N0, 3), dtype=jnp.float32)
    geo = jax.random.normal(ks[1], (N0,), dtype=jnp.float32)
    e0 = jax.random.randint(ks[2], (2, E0), 0, N0)
    e1 = jax.random.randint(ks[3], (2, E1), 0, N1)
    e2 = jax.random.randint(ks[4], (2, E2), 0, N2)
    cluster1 = jax.random.randint(ks[5], (N0,), 0, N1)
    cluster2 = jax.random.randint(ks[6], (N1,), 0, N2)
    Ws = []
    bs = []
    for i, (din, dout) in enumerate(_DIMS):
        Ws.append(jax.random.normal(ks[8 + 2 * i], (din, dout), dtype=jnp.float32) * (1.0 / np.sqrt(din)))
        bs.append(jnp.zeros((dout,), dtype=jnp.float32))
    return {"norm": norm, "geo": geo, "e0": e0, "e1": e1, "e2": e2, "cluster1": cluster1, "cluster2": cluster2, "Ws": Ws, "bs": bs}


def reference(norm, geo, e0, e1, e2, cluster1, cluster2, Ws, bs):
    x = jnp.hstack((norm, geo[:, None]))
    x = _conv(x, e0, Ws[0], bs[0])
    x = _conv(x, e0, Ws[1], bs[1])
    copy0 = x
    x = _pool(x, cluster1, N1)
    x = _conv(x, e1, Ws[2], bs[2])
    x = _conv(x, e1, Ws[3], bs[3])
    copy1 = x
    x = _pool(x, cluster2, N2)
    x = _conv(x, e2, Ws[4], bs[4])
    x = _conv(x, e2, Ws[5], bs[5])
    x = jnp.take(x, cluster2, axis=0)
    x = jnp.concatenate((x, copy1), axis=1)
    for i in range(6, 10):
        x = _conv(x, e1, Ws[i], bs[i])
    x = jnp.take(x, cluster1, axis=0)
    x = jnp.concatenate((x, copy0), axis=1)
    for i in range(10, 14):
        x = _conv(x, e0, Ws[i], bs[i])
    return jnp.squeeze(x)

if __name__ == "__main__":
    import jax
    _d = setup_inputs()
    print(jax.jit(kernel)(*tuple(_d.values())))

</pallas_src>

<mosaic_0001>
#map = affine_map<(d0, d1) -> (0, 0)>
#map1 = affine_map<(d0, d1) -> (0)>
#map2 = affine_map<(d0, d1) -> (0, 0, 0)>
module attributes {stable_mosaic.version = 14 : i64} {
  func.func @k(%arg0: i32, %arg1: i32, %arg2: memref<128x128xf32, #tpu.memory_space<hbm>>, %arg3: memref<320128xi32, #tpu.memory_space<hbm>>, %arg4: memref<320128xi32, #tpu.memory_space<hbm>>, %arg5: memref<128x128xf32, #tpu.memory_space<hbm>>, %arg6: memref<2x10240x128xf32, #tpu.memory_space<hbm>>, %arg7: memref<10240x128xf32, #tpu.memory_space<vmem_shared>>, %arg8: memref<128x128xf32, #tpu.memory_space<vmem>>, %arg9: memref<128x128xf32, #tpu.memory_space<vmem>>, %arg10: memref<128xi32, #tpu.memory_space<vmem>>, %arg11: memref<128xi32, #tpu.memory_space<vmem>>, %arg12: memref<128xi32, #tpu.memory_space<vmem>>, %arg13: memref<128xi32, #tpu.memory_space<vmem>>, %arg14: memref<!tpu.dma_semaphore, #tpu.memory_space<semaphore_mem>>, %arg15: memref<!tpu.dma_semaphore, #tpu.memory_space<semaphore_mem>>, %arg16: memref<!tpu.dma_semaphore, #tpu.memory_space<semaphore_mem>>, %arg17: memref<16x128xf32, #tpu.memory_space<vmem>>, %arg18: memref<16xi32, #tpu.memory_space<vmem>>, %arg19: memref<16xi32, #tpu.memory_space<vmem>>) attributes {dimension_semantics = [#tpu.dimension_semantics<core_parallel>, #tpu.dimension_semantics<subcore_parallel>], iteration_bounds = array<i64: 2, 16>, scalar_prefetch = 0 : i64, scratch_operands = 13 : i64, tpu.core_type = #tpu.core_type<sc_vector_subcore>, window_params = [{transform_indices = #map}, {transform_indices = #map1}, {transform_indices = #map1}, {transform_indices = #map}, {transform_indices = #map2}]} {
    %mul3A = arith.constant 16 : i32
    %mul3A_0 = arith.muli %arg0, %mul3A : i32
    %add3A = arith.addi %mul3A_0, %arg1 : i32
    "tpu.region"() ({
      %run_scoped3A = tpu.sem_alloc : memref<!tpu.dma_semaphore, #tpu.memory_space<semaphore_mem>>
      tpu.enqueue_dma source(%arg5 : memref<128x128xf32, #tpu.memory_space<hbm>>) target(%arg8 : memref<128x128xf32, #tpu.memory_space<vmem>>) target_semaphore(%run_scoped3A : memref<!tpu.dma_semaphore, #tpu.memory_space<semaphore_mem>>)
      tpu.wait_dma2 semaphore(%run_scoped3A : memref<!tpu.dma_semaphore, #tpu.memory_space<semaphore_mem>>) src(%arg5 : memref<128x128xf32, #tpu.memory_space<hbm>>) dst(%arg8 : memref<128x128xf32, #tpu.memory_space<vmem>>)
      tpu.yield
    }) : () -> ()
    %mul3A_1 = arith.constant 640 : i32
    %mul3A_2 = arith.muli %arg1, %mul3A_1 : i32
    %add3A_3 = arith.constant 0 : i32
    %add3A_4 = arith.addi %mul3A_2, %add3A_3 : i32
    "tpu.region"() ({
      %run_scoped3A = tpu.sem_alloc : memref<!tpu.dma_semaphore, #tpu.memory_space<semaphore_mem>>
      %dma_start3A = arith.constant 0 : i32
      %dma_start3A_34 = tpu.memref_slice %arg7[%add3A_4, %dma_start3A] : memref<10240x128xf32, #tpu.memory_space<vmem_shared>> -> memref<128x128xf32, #tpu.memory_space<vmem_shared>>
      %dma_start3A_35 = arith.constant 0 : i32
      %dma_start3A_36 = tpu.memref_slice %arg7[%add3A_4, %dma_start3A_35] : memref<10240x128xf32, #tpu.memory_space<vmem_shared>> -> memref<128x128xf32, #tpu.memory_space<vmem_shared>>
      tpu.enqueue_dma source(%arg8 : memref<128x128xf32, #tpu.memory_space<vmem>>) target(%dma_start3A_36 : memref<128x128xf32, #tpu.memory_space<vmem_shared>>) target_semaphore(%run_scoped3A : memref<!tpu.dma_semaphore, #tpu.memory_space<semaphore_mem>>)
      %dma_wait3A = arith.constant 0 : i32
      %dma_wait3A_37 = tpu.memref_slice %arg7[%add3A_4, %dma_wait3A] : memref<10240x128xf32, #tpu.memory_space<vmem_shared>> -> memref<128x128xf32, #tpu.memory_space<vmem_shared>>
      %dma_wait3A_38 = arith.constant 0 : i32
      %dma_wait3A_39 = tpu.memref_slice %arg7[%add3A_4, %dma_wait3A_38] : memref<10240x128xf32, #tpu.memory_space<vmem_shared>> -> memref<128x128xf32, #tpu.memory_space<vmem_shared>>
      tpu.wait_dma2 semaphore(%run_scoped3A : memref<!tpu.dma_semaphore, #tpu.memory_space<semaphore_mem>>) src(%arg8 : memref<128x128xf32, #tpu.memory_space<vmem>>) dst(%dma_wait3A_39 : memref<128x128xf32, #tpu.memory_space<vmem_shared>>)
      tpu.yield
    }) : () -> ()
    %mul3A_5 = arith.constant 640 : i32
    %mul3A_6 = arith.muli %arg1, %mul3A_5 : i32
    %add3A_7 = arith.constant 128 : i32
    %add3A_8 = arith.addi %mul3A_6, %add3A_7 : i32
    "tpu.region"() ({
      %run_scoped3A = tpu.sem_alloc : memref<!tpu.dma_semaphore, #tpu.memory_space<semaphore_mem>>
      %dma_start3A = arith.constant 0 : i32
      %dma_start3A_34 = tpu.memref_slice %arg7[%add3A_8, %dma_start3A] : memref<10240x128xf32, #tpu.memory_space<vmem_shared>> -> memref<128x128xf32, #tpu.memory_space<vmem_shared>>
      %dma_start3A_35 = arith.constant 0 : i32
      %dma_start3A_36 = tpu.memref_slice %arg7[%add3A_8, %dma_start3A_35] : memref<10240x128xf32, #tpu.memory_space<vmem_shared>> -> memref<128x128xf32, #tpu.memory_space<vmem_shared>>
      tpu.enqueue_dma source(%arg8 : memref<128x128xf32, #tpu.memory_space<vmem>>) target(%dma_start3A_36 : memref<128x128xf32, #tpu.memory_space<vmem_shared>>) target_semaphore(%run_scoped3A : memref<!tpu.dma_semaphore, #tpu.memory_space<semaphore_mem>>)
      %dma_wait3A = arith.constant 0 : i32
      %dma_wait3A_37 = tpu.memref_slice %arg7[%add3A_8, %dma_wait3A] : memref<10240x128xf32, #tpu.memory_space<vmem_shared>> -> memref<128x128xf32, #tpu.memory_space<vmem_shared>>
      %dma_wait3A_38 = arith.constant 0 : i32
      %dma_wait3A_39 = tpu.memref_slice %arg7[%add3A_8, %dma_wait3A_38] : memref<10240x128xf32, #tpu.memory_space<vmem_shared>> -> memref<128x128xf32, #tpu.memory_space<vmem_shared>>
      tpu.wait_dma2 semaphore(%run_scoped3A : memref<!tpu.dma_semaphore, #tpu.memory_space<semaphore_mem>>) src(%arg8 : memref<128x128xf32, #tpu.memory_space<vmem>>) dst(%dma_wait3A_39 : memref<128x128xf32, #tpu.memory_space<vmem_shared>>)
      tpu.yield
    }) : () -> ()
    %mul3A_9 = arith.constant 640 : i32
    %mul3A_10 = arith.muli %arg1, %mul3A_9 : i32
    %add3A_11 = arith.constant 256 : i32
    %add3A_12 = arith.addi %mul3A_10, %add3A_11 : i32
    "tpu.region"() ({
      %run_scoped3A = tpu.sem_alloc : memref<!tpu.dma_semaphore, #tpu.memory_space<semaphore_mem>>
      %dma_start3A = arith.constant 0 : i32
      %dma_start3A_34 = tpu.memref_slice %arg7[%add3A_12, %dma_start3A] : memref<10240x128xf32, #tpu.memory_space<vmem_shared>> -> memref<128x128xf32, #tpu.memory_space<vmem_shared>>
      %dma_start3A_35 = arith.constant 0 : i32
      %dma_start3A_36 = tpu.memref_slice %arg7[%add3A_12, %dma_start3A_35] : memref<10240x128xf32, #tpu.memory_space<vmem_shared>> -> memref<128x128xf32, #tpu.memory_space<vmem_shared>>
      tpu.enqueue_dma source(%arg8 : memref<128x128xf32, #tpu.memory_space<vmem>>) target(%dma_start3A_36 : memref<128x128xf32, #tpu.memory_space<vmem_shared>>) target_semaphore(%run_scoped3A : memref<!tpu.dma_semaphore, #tpu.memory_space<semaphore_mem>>)
      %dma_wait3A = arith.constant 0 : i32
      %dma_wait3A_37 = tpu.memref_slice %arg7[%add3A_12, %dma_wait3A] : memref<10240x128xf32, #tpu.memory_space<vmem_shared>> -> memref<128x128xf32, #tpu.memory_space<vmem_shared>>
      %dma_wait3A_38 = arith.constant 0 : i32
      %dma_wait3A_39 = tpu.memref_slice %arg7[%add3A_12, %dma_wait3A_38] : memref<10240x128xf32, #tpu.memory_space<vmem_shared>> -> memref<128x128xf32, #tpu.memory_space<vmem_shared>>
      tpu.wait_dma2 semaphore(%run_scoped3A : memref<!tpu.dma_semaphore, #tpu.memory_space<semaphore_mem>>) src(%arg8 : memref<128x128xf32, #tpu.memory_space<vmem>>) dst(%dma_wait3A_39 : memref<128x128xf32, #tpu.memory_space<vmem_shared>>)
      tpu.yield
    }) : () -> ()
    %mul3A_13 = arith.constant 640 : i32
    %mul3A_14 = arith.muli %arg1, %mul3A_13 : i32
    %add3A_15 = arith.constant 384 : i32
    %add3A_16 = arith.addi %mul3A_14, %add3A_15 : i32
    "tpu.region"() ({
      %run_scoped3A = tpu.sem_alloc : memref<!tpu.dma_semaphore, #tpu.memory_space<semaphore_mem>>
      %dma_start3A = arith.constant 0 : i32
      %dma_start3A_34 = tpu.memref_slice %arg7[%add3A_16, %dma_start3A] : memref<10240x128xf32, #tpu.memory_space<vmem_shared>> -> memref<128x128xf32, #tpu.memory_space<vmem_shared>>
      %dma_start3A_35 = arith.constant 0 : i32
      %dma_start3A_36 = tpu.memref_slice %arg7[%add3A_16, %dma_start3A_35] : memref<10240x128xf32, #tpu.memory_space<vmem_shared>> -> memref<128x128xf32, #tpu.memory_space<vmem_shared>>
      tpu.enqueue_dma source(%arg8 : memref<128x128xf32, #tpu.memory_space<vmem>>) target(%dma_start3A_36 : memref<128x128xf32, #tpu.memory_space<vmem_shared>>) target_semaphore(%run_scoped3A : memref<!tpu.dma_semaphore, #tpu.memory_space<semaphore_mem>>)
      %dma_wait3A = arith.constant 0 : i32
      %dma_wait3A_37 = tpu.memref_slice %arg7[%add3A_16, %dma_wait3A] : memref<10240x128xf32, #tpu.memory_space<vmem_shared>> -> memref<128x128xf32, #tpu.memory_space<vmem_shared>>
      %dma_wait3A_38 = arith.constant 0 : i32
      %dma_wait3A_39 = tpu.memref_slice %arg7[%add3A_16, %dma_wait3A_38] : memref<10240x128xf32, #tpu.memory_space<vmem_shared>> -> memref<128x128xf32, #tpu.memory_space<vmem_shared>>
      tpu.wait_dma2 semaphore(%run_scoped3A : memref<!tpu.dma_semaphore, #tpu.memory_space<semaphore_mem>>) src(%arg8 : memref<128x128xf32, #tpu.memory_space<vmem>>) dst(%dma_wait3A_39 : memref<128x128xf32, #tpu.memory_space<vmem_shared>>)
      tpu.yield
    }) : () -> ()
    %mul3A_17 = arith.constant 640 : i32
    %mul3A_18 = arith.muli %arg1, %mul3A_17 : i32
    %add3A_19 = arith.constant 512 : i32
    %add3A_20 = arith.addi %mul3A_18, %add3A_19 : i32
    "tpu.region"() ({
      %run_scoped3A = tpu.sem_alloc : memref<!tpu.dma_semaphore, #tpu.memory_space<semaphore_mem>>
      %dma_start3A = arith.constant 0 : i32
      %dma_start3A_34 = tpu.memref_slice %arg7[%add3A_20, %dma_start3A] : memref<10240x128xf32, #tpu.memory_space<vmem_shared>> -> memref<128x128xf32, #tpu.memory_space<vmem_shared>>
      %dma_start3A_35 = arith.constant 0 : i32
      %dma_start3A_36 = tpu.memref_slice %arg7[%add3A_20, %dma_start3A_35] : memref<10240x128xf32, #tpu.memory_space<vmem_shared>> -> memref<128x128xf32, #tpu.memory_space<vmem_shared>>
      tpu.enqueue_dma source(%arg8 : memref<128x128xf32, #tpu.memory_space<vmem>>) target(%dma_start3A_36 : memref<128x128xf32, #tpu.memory_space<vmem_shared>>) target_semaphore(%run_scoped3A : memref<!tpu.dma_semaphore, #tpu.memory_space<semaphore_mem>>)
      %dma_wait3A = arith.constant 0 : i32
      %dma_wait3A_37 = tpu.memref_slice %arg7[%add3A_20, %dma_wait3A] : memref<10240x128xf32, #tpu.memory_space<vmem_shared>> -> memref<128x128xf32, #tpu.memory_space<vmem_shared>>
      %dma_wait3A_38 = arith.constant 0 : i32
      %dma_wait3A_39 = tpu.memref_slice %arg7[%add3A_20, %dma_wait3A_38] : memref<10240x128xf32, #tpu.memory_space<vmem_shared>> -> memref<128x128xf32, #tpu.memory_space<vmem_shared>>
      tpu.wait_dma2 semaphore(%run_scoped3A : memref<!tpu.dma_semaphore, #tpu.memory_space<semaphore_mem>>) src(%arg8 : memref<128x128xf32, #tpu.memory_space<vmem>>) dst(%dma_wait3A_39 : memref<128x128xf32, #tpu.memory_space<vmem_shared>>)
      tpu.yield
    }) : () -> ()
    "tpu.region"() ({
      %run_scoped3A = tpu.sem_alloc : memref<!tpu.dma_semaphore, #tpu.memory_space<semaphore_mem>>
      tpu.enqueue_dma source(%arg2 : memref<128x128xf32, #tpu.memory_space<hbm>>) target(%arg8 : memref<128x128xf32, #tpu.memory_space<vmem>>) target_semaphore(%run_scoped3A : memref<!tpu.dma_semaphore, #tpu.memory_space<semaphore_mem>>)
      tpu.wait_dma2 semaphore(%run_scoped3A : memref<!tpu.dma_semaphore, #tpu.memory_space<semaphore_mem>>) src(%arg2 : memref<128x128xf32, #tpu.memory_space<hbm>>) dst(%arg8 : memref<128x128xf32, #tpu.memory_space<vmem>>)
      tpu.yield
    }) : () -> ()
    "tpu.region"() ({
      %run_scoped3A = tpu.sem_alloc : memref<!tpu.dma_semaphore, #tpu.memory_space<semaphore_mem>>
      %dma_start3A = arith.constant 0 : i32
      %dma_start3A_34 = arith.constant 0 : i32
      %dma_start3A_35 = tpu.memref_slice %arg2[%dma_start3A, %dma_start3A_34] : memref<128x128xf32, #tpu.memory_space<hbm>> -> memref<16x128xf32, #tpu.memory_space<hbm>>
      %dma_start3A_36 = arith.constant 0 : i32
      %dma_start3A_37 = arith.constant 0 : i32
      %dma_start3A_38 = tpu.memref_slice %arg2[%dma_start3A_36, %dma_start3A_37] : memref<128x128xf32, #tpu.memory_space<hbm>> -> memref<16x128xf32, #tpu.memory_space<hbm>>
      tpu.enqueue_dma source(%dma_start3A_38 : memref<16x128xf32, #tpu.memory_space<hbm>>) target(%arg17 : memref<16x128xf32, #tpu.memory_space<vmem>>) target_semaphore(%run_scoped3A : memref<!tpu.dma_semaphore, #tpu.memory_space<semaphore_mem>>)
      %dma_wait3A = arith.constant 0 : i32
      %dma_wait3A_39 = arith.constant 0 : i32
      %dma_wait3A_40 = tpu.memref_slice %arg2[%dma_wait3A, %dma_wait3A_39] : memref<128x128xf32, #tpu.memory_space<hbm>> -> memref<16x128xf32, #tpu.memory_space<hbm>>
      %dma_wait3A_41 = arith.constant 0 : i32
      %dma_wait3A_42 = arith.constant 0 : i32
      %dma_wait3A_43 = tpu.memref_slice %arg2[%dma_wait3A_41, %dma_wait3A_42] : memref<128x128xf32, #tpu.memory_space<hbm>> -> memref<16x128xf32, #tpu.memory_space<hbm>>
      tpu.wait_dma2 semaphore(%run_scoped3A : memref<!tpu.dma_semaphore, #tpu.memory_space<semaphore_mem>>) src(%dma_wait3A_43 : memref<16x128xf32, #tpu.memory_space<hbm>>) dst(%arg17 : memref<16x128xf32, #tpu.memory_space<vmem>>)
      tpu.yield
    }) : () -> ()
    %barrier3A = arith.constant 0 : index
    tpu.barrier barrier_id(%barrier3A)
    %mul3A_21 = arith.constant 10000 : i32
    %mul3A_22 = arith.muli %add3A, %mul3A_21 : i32
    %scan3A = arith.constant 0 : i32
    %scan3A_23 = arith.constant 78 : i32
    %scan3A_24 = arith.addi %scan3A, %scan3A_23 : i32
    %scan3A_25 = arith.constant 1 : i32
    scf.for %scan3A_34 = %scan3A to %scan3A_24 step %scan3A_25  : i32 {
      %mul3A_35 = arith.constant 1 : i32
      %mul3A_36 = arith.muli %scan3A_34, %mul3A_35 : i32
      %add3A_37 = arith.constant 0 : i32
      %add3A_38 = arith.addi %add3A_37, %mul3A_36 : i32
      %mul3A_39 = arith.constant 128 : i32
      %mul3A_40 = arith.muli %add3A_38, %mul3A_39 : i32
      %add3A_41 = arith.addi %mul3A_22, %mul3A_40 : i32
      "tpu.region"() ({
        %run_scoped3A = tpu.sem_alloc : memref<!tpu.dma_semaphore, #tpu.memory_space<semaphore_mem>>
        %dma_start3A = tpu.memref_slice %arg4[%add3A_41] : memref<320128xi32, #tpu.memory_space<hbm>> -> memref<128xi32, #tpu.memory_space<hbm>>
        %dma_start3A_42 = tpu.memref_slice %arg4[%add3A_41] : memref<320128xi32, #tpu.memory_space<hbm>> -> memref<128xi32, #tpu.memory_space<hbm>>
        tpu.enqueue_dma source(%dma_start3A_42 : memref<128xi32, #tpu.memory_space<hbm>>) target(%arg12 : memref<128xi32, #tpu.memory_space<vmem>>) target_semaphore(%run_scoped3A : memref<!tpu.dma_semaphore, #tpu.memory_space<semaphore_mem>>)
        %dma_wait3A = tpu.memref_slice %arg4[%add3A_41] : memref<320128xi32, #tpu.memory_space<hbm>> -> memref<128xi32, #tpu.memory_space<hbm>>
        %dma_wait3A_43 = tpu.memref_slice %arg4[%add3A_41] : memref<320128xi32, #tpu.memory_space<hbm>> -> memref<128xi32, #tpu.memory_space<hbm>>
        tpu.wait_dma2 semaphore(%run_scoped3A : memref<!tpu.dma_semaphore, #tpu.memory_space<semaphore_mem>>) src(%dma_wait3A_43 : memref<128xi32, #tpu.memory_space<hbm>>) dst(%arg12 : memref<128xi32, #tpu.memory_space<vmem>>)
        tpu.yield
      }) : () -> ()
      "tpu.region"() ({
        %run_scoped3A = tpu.sem_alloc : memref<!tpu.dma_semaphore, #tpu.memory_space<semaphore_mem>>
        %dma_start3A = arith.constant 0 : i32
        %dma_start3A_42 = arith.constant 0 : i32
        %dma_start3A_43 = tpu.memref_slice %arg7[%dma_start3A, %dma_start3A_42] : memref<10240x128xf32, #tpu.memory_space<vmem_shared>> -> memref<10240x128xf32, #tpu.memory_space<vmem_shared>>
        tpu.enqueue_indirect_dma source(%arg8 : memref<128x128xf32, #tpu.memory_space<vmem>>) target(%dma_start3A_43 : memref<10240x128xf32, #tpu.memory_space<vmem_shared>>) offsets(%arg12 : memref<128xi32, #tpu.memory_space<vmem>>) semaphore(%run_scoped3A : memref<!tpu.dma_semaphore, #tpu.memory_space<semaphore_mem>>) {add = true}
        %dma_wait3A = arith.constant 0 : i32
        %dma_wait3A_44 = arith.constant 0 : i32
        %dma_wait3A_45 = tpu.memref_slice %arg7[%dma_wait3A, %dma_wait3A_44] : memref<10240x128xf32, #tpu.memory_space<vmem_shared>> -> memref<10240x128xf32, #tpu.memory_space<vmem_shared>>
        tpu.wait_indirect_dma semaphore(%run_scoped3A : memref<!tpu.dma_semaphore, #tpu.memory_space<semaphore_mem>>) src(%arg8 : memref<128x128xf32, #tpu.memory_space<vmem>>) dst(%dma_wait3A_45 : memref<10240x128xf32, #tpu.memory_space<vmem_shared>>)
        tpu.yield
      }) : () -> ()
    }
    %scan3A_26 = arith.constant 78 : i32
    %add3A_27 = arith.constant 9984 : i32
    %add3A_28 = arith.addi %mul3A_22, %add3A_27 : i32
    "tpu.region"() ({
      %run_scoped3A = tpu.sem_alloc : memref<!tpu.dma_semaphore, #tpu.memory_space<semaphore_mem>>
      %dma_start3A = tpu.memref_slice %arg4[%add3A_28] : memref<320128xi32, #tpu.memory_space<hbm>> -> memref<16xi32, #tpu.memory_space<hbm>>
      %dma_start3A_34 = tpu.memref_slice %arg4[%add3A_28] : memref<320128xi32, #tpu.memory_space<hbm>> -> memref<16xi32, #tpu.memory_space<hbm>>
      tpu.enqueue_dma source(%dma_start3A_34 : memref<16xi32, #tpu.memory_space<hbm>>) target(%arg19 : memref<16xi32, #tpu.memory_space<vmem>>) target_semaphore(%run_scoped3A : memref<!tpu.dma_semaphore, #tpu.memory_space<semaphore_mem>>)
      %dma_wait3A = tpu.memref_slice %arg4[%add3A_28] : memref<320128xi32, #tpu.memory_space<hbm>> -> memref<16xi32, #tpu.memory_space<hbm>>
      %dma_wait3A_35 = tpu.memref_slice %arg4[%add3A_28] : memref<320128xi32, #tpu.memory_space<hbm>> -> memref<16xi32, #tpu.memory_space<hbm>>
      tpu.wait_dma2 semaphore(%run_scoped3A : memref<!tpu.dma_semaphore, #tpu.memory_space<semaphore_mem>>) src(%dma_wait3A_35 : memref<16xi32, #tpu.memory_space<hbm>>) dst(%arg19 : memref<16xi32, #tpu.memory_space<vmem>>)
      tpu.yield
    }) : () -> ()
    "tpu.region"() ({
      %run_scoped3A = tpu.sem_alloc : memref<!tpu.dma_semaphore, #tpu.memory_space<semaphore_mem>>
      %dma_start3A = arith.constant 0 : i32
      %dma_start3A_34 = arith.constant 0 : i32
      %dma_start3A_35 = tpu.memref_slice %arg7[%dma_start3A, %dma_start3A_34] : memref<10240x128xf32, #tpu.memory_space<vmem_shared>> -> memref<10240x128xf32, #tpu.memory_space<vmem_shared>>
      tpu.enqueue_indirect_dma source(%arg17 : memref<16x128xf32, #tpu.memory_space<vmem>>) target(%dma_start3A_35 : memref<10240x128xf32, #tpu.memory_space<vmem_shared>>) offsets(%arg19 : memref<16xi32, #tpu.memory_space<vmem>>) semaphore(%run_scoped3A : memref<!tpu.dma_semaphore, #tpu.memory_space<semaphore_mem>>) {add = true}
      %dma_wait3A = arith.constant 0 : i32
      %dma_wait3A_36 = arith.constant 0 : i32
      %dma_wait3A_37 = tpu.memref_slice %arg7[%dma_wait3A, %dma_wait3A_36] : memref<10240x128xf32, #tpu.memory_space<vmem_shared>> -> memref<10240x128xf32, #tpu.memory_space<vmem_shared>>
      tpu.wait_indirect_dma semaphore(%run_scoped3A : memref<!tpu.dma_semaphore, #tpu.memory_space<semaphore_mem>>) src(%arg17 : memref<16x128xf32, #tpu.memory_space<vmem>>) dst(%dma_wait3A_37 : memref<10240x128xf32, #tpu.memory_space<vmem_shared>>)
      tpu.yield
    }) : () -> ()
    %barrier3A_29 = arith.constant 0 : index
    tpu.barrier barrier_id(%barrier3A_29)
    %mul3A_30 = arith.constant 640 : i32
    %mul3A_31 = arith.muli %arg1, %mul3A_30 : i32
    %mul3A_32 = arith.constant 640 : i32
    %mul3A_33 = arith.muli %arg1, %mul3A_32 : i32
    "tpu.region"() ({
      %run_scoped3A = tpu.sem_alloc : memref<!tpu.dma_semaphore, #tpu.memory_space<semaphore_mem>>
      %dma_start3A = arith.constant 0 : i32
      %dma_start3A_34 = tpu.memref_slice %arg6[%arg0, %mul3A_33, %dma_start3A] : memref<2x10240x128xf32, #tpu.memory_space<hbm>> -> memref<1x640x128xf32, #tpu.memory_space<hbm>>
      %dma_start3A_35 = tpu.memref_squeeze %dma_start3A_34 : memref<1x640x128xf32, #tpu.memory_space<hbm>> -> memref<640x128xf32, #tpu.memory_space<hbm>>
      %dma_start3A_36 = arith.constant 0 : i32
      %dma_start3A_37 = tpu.memref_slice %arg7[%mul3A_31, %dma_start3A_36] : memref<10240x128xf32, #tpu.memory_space<vmem_shared>> -> memref<640x128xf32, #tpu.memory_space<vmem_shared>>
      tpu.enqueue_dma source(%dma_start3A_37 : memref<640x128xf32, #tpu.memory_space<vmem_shared>>) target(%dma_start3A_35 : memref<640x128xf32, #tpu.memory_space<hbm>>) target_semaphore(%run_scoped3A : memref<!tpu.dma_semaphore, #tpu.memory_space<semaphore_mem>>)
      %dma_wait3A = arith.constant 0 : i32
      %dma_wait3A_38 = tpu.memref_slice %arg6[%arg0, %mul3A_33, %dma_wait3A] : memref<2x10240x128xf32, #tpu.memory_space<hbm>> -> memref<1x640x128xf32, #tpu.memory_space<hbm>>
      %dma_wait3A_39 = tpu.memref_squeeze %dma_wait3A_38 : memref<1x640x128xf32, #tpu.memory_space<hbm>> -> memref<640x128xf32, #tpu.memory_space<hbm>>
      %dma_wait3A_40 = arith.constant 0 : i32
      %dma_wait3A_41 = tpu.memref_slice %arg7[%mul3A_31, %dma_wait3A_40] : memref<10240x128xf32, #tpu.memory_space<vmem_shared>> -> memref<640x128xf32, #tpu.memory_space<vmem_shared>>
      tpu.wait_dma2 semaphore(%run_scoped3A : memref<!tpu.dma_semaphore, #tpu.memory_space<semaphore_mem>>) src(%dma_wait3A_41 : memref<640x128xf32, #tpu.memory_space<vmem_shared>>) dst(%dma_wait3A_39 : memref<640x128xf32, #tpu.memory_space<hbm>>)
      tpu.yield
    }) : () -> ()
    return
  }
}

</mosaic_0001>

<sc_bundles>
// kernel: _sc_scatter_partials.3.cloned.1.call-start
scs
__scs_entry_jumppad:
0x0: {  	(pc) =	sbr.rel $0x88, $3  }
0x1: {  	(tag) =	ssettag $0x0;
	lr =	simm.s32 $0x1  }
0x2: {  	[smem:$0x3F9E] =	sst lr;
	_ =	strace $0xD0000000  }
0x3: {  	_ = 	snop  }
0x4: {  	_ = 	snop  }
0x5: {  	_ = 	snop  }
0x6: {  	_ = 	snop  }
0x7: {  	_ = 	snop  }
__scs_overlays_trampoline_lowered:
0x8: {  	[smem:$0x3FAD] =	sst s0  }
0x9: {  	[smem:$0x3FAE] =	sst s1  }
0xa: {  	[smem:$0x3FAF] =	sst s2  }
0xb: {  	[smem:$0x3FB0] =	sst s3  }
0xc: {  	[smem:$0x3FB1] =	sst s4  }
0xd: {  	[smem:$0x3FB2] =	sst s5  }
0xe: {  	[smem:$0x3FB3] =	sst s6  }
0xf: {  	[smem:$0x3FB4] =	sst s7  }
0x10: {  	[smem:$0x3FB5] =	sst s8  }
0x11: {  	[smem:$0x3FB6] =	sst s9;
	s0 =	simm.s32 @!p0 $0x0  }
0x12: {  	s1 =	sld [smem:$0x3F9C];
	s0 =	simm.s32 @p0 $0x1  }
0x13: {  	[smem:$0x3FB7] =	sst s0;
	s0 =	simm.s32 @!p1 $0x0  }
0x14: {  	s2 =	sld [smem:$0x3F9B];
	s0 =	simm.s32 @p1 $0x1  }
0x15: {  	[smem:$0x3FB8] =	sst s0;
	s0 =	simm.s32 @!p2 $0x0  }
0x16: {  	s3 =	sld [smem:$0x3FDB];
	s0 =	simm.s32 @p2 $0x1  }
0x17: {  	s4 =	simm.s32 $0x1BF5;
	[smem:$0x3FBA] =	sst s0  }
0x18: {  	s0 =	sld [smem:$0x3F9D];
	_ =	swait.ge [sflag:s4], $0x0  }
0x19: {  	s7 =	sld [smem:$0x3F9E]  }
0x1a: {  	s8 =	sadd.s32 $0xFFFFE003, lr  }
0x1b: {  	s9 =	sadd.s32 $0xFFFFFEF7, lr;
	s5 =	simm.s32 $0xFFFFFFFF;
	p2 =	slt.u32 s8, $0xFFFFF086  }
0x1c: {  	p1 =	slt.u32 s9, $0xF7A;
	s5 =	simm.s32 @!p2 $0x0  }
0x1d: {  	s5 =	simm.s32 @p1 $0x1;
	p0 =	seq.s32 s7, s2  }
0x1e: {  	s7 =	smul.u32 @!p0 $0xF7A, s2;
	p2 =	seq.s32 @!p0 s5, $0x0  }
0x1f: {  	s9 =	smul.u32 $0xF7A, s1;
	s8 =	simm.s32 @!p0 $0x1BF5;
	p2 =	por !p2, p0  }
0x20: {  	[sflag:s8] =	ssyncset.s32 @!p0 $0xFFFFF086;
	s6 =	sadd.s32 @!p0 s3, s7;
	s7 =	simm.s32 @!p0 $0x108  }
0x21: {  	s3 =	sadd.s32 s3, s9;
	s6 =	sadd.s32 @!p0 $0x88, s6;
	s7 =	simm.s32 @p2 $0x1082  }
0x22: {  	[simem:s7], [sflag:s8] =	dma.local @!p0 [hbm:s6], $0xF7A  }
0x23: {  	s9 =	sor.u32 $0xD0000000, s2;
	s6 =	simm.s32 $0x108;
	_ =	swait.ge @!p0 [sflag:s8], $0x0  }
0x24: {  	s3 =	sadd.s32 $0x88, s3;
	s6 =	simm.s32 @!p1 $0x1082;
	[sflag:s4] =	ssyncset.s32 $0xFFFFF086  }
0x25: {  	[simem:s6], [sflag:s4] =	dma.local [hbm:s3], $0xF7A  }
0x26: {  	[smem:$0x3F9E] =	sst s1;
	(tag) =	ssettag s2;
	_ =	strace s9  }
0x27: {  	s1 =	sld [smem:$0x3FAE]  }
0x28: {  	s2 =	sld [smem:$0x3FAF]  }
0x29: {  	s4 =	sld [smem:$0x3FB1]  }
0x2a: {  	p0 =	seq.s32 s5, $0x0;
	s5 =	sld [smem:$0x3FB2]  }
0x2b: {  	s6 =	sld [smem:$0x3FB3]  }
0x2c: {  	s7 =	sld [smem:$0x3FB4]  }
0x2d: {  	s3 =	simm.s32 $0x108;
	s8 =	sld [smem:$0x3FB5]  }
0x2e: {  	s3 =	simm.s32 @!p0 $0x1082;
	s9 =	sld [smem:$0x3FB6]  }
0x2f: {  	lr =	sadd.s32 s0, s3;
	s0 =	sld [smem:$0x3FAD]  }
0x30: {  	s3 =	sld [smem:$0x3FB0]  }
0x31: {  	[smem:$0x3FB9] =	sst s10  }
0x32: {  	s10 =	sld [smem:$0x3FB7];
	_ =	sdelay $0x3  }
0x33: {  	p0 =	seq.s32 s10, $0x1;
	s10 =	sld [smem:$0x3FB9];
	_ =	sdelay $0x3  }
0x34: {  	[smem:$0x3FB9] =	sst s10  }
0x35: {  	s10 =	sld [smem:$0x3FB8];
	_ =	sdelay $0x3  }
0x36: {  	p1 =	seq.s32 s10, $0x1;
	s10 =	sld [smem:$0x3FB9];
	_ =	sdelay $0x3  }
0x37: {  	[smem:$0x3FB9] =	sst s10  }
0x38: {  	s10 =	sld [smem:$0x3FBA]  }
0x39: {  	_ = 	snop;
	(pc) =	sbr.ind lr, $3  }
0x3a: {  	_ = 	snop  }
0x3b: {  	_ = 	snop  }
0x3c: {  	p2 =	seq.s32 s10, $0x1;
	s10 =	sld [smem:$0x3FB9]  }
0x3d: {  	_ =	shalt  }
0x3e: {  	_ =	shalt  }
0x3f: {  	_ =	shalt  }
0x40: {  	_ =	shalt  }
0x41: {  	_ =	shalt  }
0x42: {  	_ =	shalt  }
0x43: {  	_ =	shalt  }
0x44: {  	_ =	shalt  }
0x45: {  	_ =	shalt  }
0x46: {  	_ =	shalt  }
0x47: {  	_ =	shalt  }
0x48: {  	_ =	shalt  }
0x49: {  	_ =	shalt  }
0x4a: {  	_ =	shalt  }
0x4b: {  	_ =	shalt  }
0x4c: {  	_ =	shalt  }
0x4d: {  	_ =	shalt  }
0x4e: {  	_ =	shalt  }
0x4f: {  	_ =	shalt  }
0x50: {  	_ =	shalt  }
0x51: {  	_ =	shalt  }
0x52: {  	_ =	shalt  }
0x53: {  	_ =	shalt  }
0x54: {  	_ =	shalt  }
0x55: {  	_ =	shalt  }
0x56: {  	_ =	shalt  }
0x57: {  	_ =	shalt  }
0x58: {  	_ =	shalt  }
0x59: {  	_ =	shalt  }
0x5a: {  	_ =	shalt  }
0x5b: {  	_ =	shalt  }
0x5c: {  	_ =	shalt  }
0x5d: {  	_ =	shalt  }
0x5e: {  	_ =	shalt  }
0x5f: {  	_ =	shalt  }
0x60: {  	_ =	shalt  }
0x61: {  	_ =	shalt  }
0x62: {  	_ =	shalt  }
0x63: {  	_ =	shalt  }
0x64: {  	_ =	shalt  }
0x65: {  	_ =	shalt  }
0x66: {  	_ =	shalt  }
0x67: {  	_ =	shalt  }
0x68: {  	_ =	shalt  }
0x69: {  	_ =	shalt  }
0x6a: {  	_ =	shalt  }
0x6b: {  	_ =	shalt  }
0x6c: {  	_ =	shalt  }
0x6d: {  	_ =	shalt  }
0x6e: {  	_ =	shalt  }
0x6f: {  	_ =	shalt  }
0x70: {  	_ =	shalt  }
0x71: {  	_ =	shalt  }
0x72: {  	_ =	shalt  }
0x73: {  	_ =	shalt  }
0x74: {  	_ =	shalt  }
0x75: {  	_ =	shalt  }
0x76: {  	_ =	shalt  }
0x77: {  	_ =	shalt  }
0x78: {  	_ =	shalt  }
0x79: {  	_ =	shalt  }
0x7a: {  	_ =	shalt  }
0x7b: {  	_ =	shalt  }
0x7c: {  	_ =	shalt  }
0x7d: {  	_ =	shalt  }
0x7e: {  	_ =	shalt  }
0x7f: {  	_ =	shalt  }
0x80: {  	_ =	shalt  }
0x81: {  	_ =	shalt  }
0x82: {  	_ =	shalt  }
0x83: {  	_ =	shalt  }
0x84: {  	_ =	shalt  }
0x85: {  	_ =	shalt  }
0x86: {  	_ =	shalt  }
0x87: {  	_ =	shalt  }
.Lfunc_end0:
.L_simem_size_0:
called_computation_lowered:
.L_overlay_start_0:
0x88: {  	s2 =	sld [smem:$0x3FD9]  }
0x89: {  	s3 =	sld [smem:$0x3FFE];
	_ =	sdelay $0x1  }
0x8a: {  	s1 =	srdreg.scid  }
0x8b: {  	s0 =	sand.u32 $0x1, s1  }
0x8c: {  	s17 =	sshll.u32 s0, $0xA;
	s2 =	sadd.s32 s3, s2  }
0x8d: {  	s2 =	sadd.s32 s2, s17  }
0x8e: {  	[smem:$0x3FC5] =	sst s2  }
0x8f: {  	_ = 	snop  }
0x90: {  	s2 =	sld [smem:$0x3FC9]  }
0x91: {  	s18 =	sld [smem:$0x3FC7]  }
0x92: {  	s4 =	sld [smem:$0x3FD0];
	(tm) =	ssettm $0x1  }
0x93: {  	s5 =	sld [smem:$0x3FFB];
	_ =	sdelay $0x3  }
0x94: {  	_ =	strace s5  }
0x95: {  	s5 =	sld [smem:$0x3FFC];
	_ =	sdelay $0x3  }
0x96: {  	_ =	strace s5  }
0x97: {  	s5 =	sld [smem:$0x3FFD];
	_ =	sdelay $0x3  }
0x98: {  	_ =	strace s5  }
0x99: {  	_ =	strace $0x8FFFFFFF  }
0x9a: {  	s19 =	sld [smem:$0x3FDB];
	_ =	sdelay $0x1  }
0x9b: {  	s6 =	simm.s32 $_scs_section_size  }
0x9c: {  	s7 =	simm.s32 $_size__tile_overlayer_lowered;
	s8 =	simm.s32 $_tile_overlayer_lowered  }
0x9d: {  	s22 =	simm.s32 $0x1BFF;
	s21 =	sshll.u32 s8, $0x1;
	s5 =	sadd.s32 s6, s19  }
0x9e: {  	s9 =	simm.s32 $0x0;
	s20 =	sshll.u32 s7, $0x1;
	s7 =	sadd.s32 s21, s5  }
0x9f: {  	[timem:s9], [sflag:s22] =	dma.local [hbm:s7], s20  }
0xa0: {  	_ =	swait.ge [sflag:s22], s20  }
0xa1: {  	s6 =	ssub.s32 $0x0, s20;
	[sflag:s22] =	ssyncset.done $0x0  }
0xa2: {  	[sflag:s22] =	ssyncadd.s32 s6;
	_ =	sdelay $0x1  }
0xa3: {  	s23 =	simm.s32 $0x1B8B  }
0xa4: {  	_ =	swait.ge [sflag:s23], $0x1  }
0xa5: {  	[sflag:s23] =	ssyncset.done $0x0  }
0xa6: {  	s25 =	simm.s32 $0x1B8E;
	s24 =	sld [smem:$0x3FFE];
	[sflag:s23] =	ssyncadd.s32 $0xFFFFFFFF  }
0xa7: {  	s26 =	simm.s32 $execute0_lowered;
	[smem:$0x3FD2] =	sst s25  }
0xa8: {  	s7 =	sshll.u32 s26, $0x1;
	_ =	strace $0x80000046;
	[dreg:$0x1] =	wrdreg $0xFFFFFFFF  }
0xa9: {  	s28 =	simm.s32 $_size_execute0_lowered;
	s5 =	sadd.s32 s5, s7;
	[dreg:$0x0] =	wrdreg $0x0  }
0xaa: {  	s7 =	sshll.u32 s28, $0x1;
	[dreg:$0x2] =	wrdreg s5  }
0xab: {  	[dreg:$0x3] =	wrdreg s7  }
0xac: {  	[dreg:$0x4] =	wrdreg $0xC0  }
0xad: {  	_ =	task [dreg:s9], $0x5FFFF  }
0xae: {  	[dreg:$0x1] =	wrdreg $0xFFFFFFFF  }
0xaf: {  	[dreg:$0x0] =	wrdreg $0x60  }
0xb0: {  	[dreg:$0x2] =	wrdreg s2  }
0xb1: {  	[dreg:$0x3] =	wrdreg s18  }
0xb2: {  	[dreg:$0x4] =	wrdreg s24  }
0xb3: {  	[dreg:$0x5] =	wrdreg s4  }
0xb4: {  	[dreg:$0x6] =	wrdreg $0x0  }
0xb5: {  	[dreg:$0x7] =	wrdreg $0x9  }
0xb6: {  	_ =	task.clear_ibuf [dreg:s9], $0x8FFFF;
	_ =	strace $0x90000046  }
0xb7: {  	s29 =	simm.s32 $0x9;
	_ =	strace $0x80000048  }
0xb8: {  	_ =	swait.ge [sflag:s29], $0x1  }
0xb9: {  	[sflag:s29] =	ssyncadd.s32 $0xFFFFFFFF  }
0xba: {  	_ =	strace $0x90000048  }
0xbb: {  	_ =	sfence  }
0xbc: {  	s30 =	sld [smem:$0x0];
	_ =	sdelay $0x2  }
0xbd: {  	s31 =	sshll.u32 s1, $0xD;
	s1 =	sshrl.u32 s1, $0x2  }
0xbe: {  	s3 =	sand.u32 $0x4000, s31;
	s1 =	sadd.s32 s1, s30  }
0xbf: {  	s0 =	sor.u32 s3, s0;
	s1 =	sshll.u32 s1, $0x11  }
0xc0: {  	s0 =	sor.u32 s1, s0  }
0xc1: {  	s0 =	sadd.s32 $0x8F2B, s0  }
0xc2: {  	[sflag:s0] =	ssyncadd.remote.s32 $0x1  }
0xc3: {  	_ =	sfence.sel $0xFFFF  }
0xc4: {  	[dreg:$0x0] =	wrdreg $0xFFFFFFFF;
	(pc) =	sbr.abs _section_cstart, $3  }
0xc5: {  	[dreg:$0x1] =	wrdreg $0xFFFFFFFF  }
0xc6: {  	_ =	task.clear_ibuf [dreg:s9], $0x2FFFF;
	_ =	strace $0x9FFFFFFF  }
0xc7: {  	(tm) =	ssettm $0x7FFFFFFF  }
tec
execute0_lowered:
.L_overlay_start_1:
0x0: {  	(tag) =	ssettag $0x1  }
0x1: {  	s1 =	rddreg [dreg:$0x0]  }
0x2: {  	s14 =	rddreg [dreg:$0x1]  }
0x3: {  	s5 =	rddreg [dreg:$0x2]  }
0x4: {  	s12 =	rddreg [dreg:$0x3]  }
0x5: {  	s2 =	rddreg [dreg:$0x4];
	s3 =	srdreg.scid  }
0x6: {  	s0 =	rddreg [dreg:$0x5];
	s9 =	sand.u32 $0x1, s3;
	s3 =	stileid.u32  }
0x7: {  	s4 =	simm.s32 $0x0;
	s19 =	simm.s32 $0x80;
	s7 =	smul.u32 $0x50000, s3  }
0x8: {  	s20 =	simm.s32 $0x18880;
	s21 =	simm.s32 $0x10;
	s11 =	smul.u32 $0x140000, s9  }
0x9: {  	s24 =	simm.s32 $0x0;
	[smem:$0x7FF] =	sst s4;
	s15 =	smul.u32 $0x14000, s3  }
0xa: {  	s5 =	sadd.s32 $0x400, s5;
	s6 =	sshll.u32 s9, $0x4;
	s16 =	smul.u32 $0x27100, s9  }
0xb: {  	_ =	strace $0x80000047;
	s8 =	ssub.s32 $0x2, s9;
	s18 =	smul.u32 $0x2710, s3  }
0xc: {  	s22 =	sshll.u32 s3, $0x6;
	s6 =	sor.u32 s3, s6;
	s30 =	sshrl.u32 s8, $0x1  }
0xd: {  	s22 =	sor.u32 $0x1C01, s22;
	s10 =	smul.u32 $0x2710, s6;
	s7 =	sshrl.u32 s7, $0x2  }
0xe: {  	s13 =	ssub.s32 s8, s30;
	s15 =	sadd.s32 s15, s11;
	s16 =	sadd.s32 s18, s16  }
0xf: {  	s18 =	simm.s32 $0x18000;
	s6 =	sadd.s32 s7, s2;
	s15 =	sshrl.u32 s15, $0x3  }
0x10: {  	s13 =	smax.u32 s13, $0x1;
	s31 =	sshrl.u32 s16, $0x3;
	s16 =	simm.s32 $0x1  }
0x11: {  	s7 =	sadd.s32 $0x4000, s6;
	s8 =	sadd.s32 $0x8000, s6;
	s9 =	sadd.s32 $0xC000, s6  }
0x12: {  	s17 =	sshrl.u32 s10, $0x3;
	s10 =	sadd.s32 $0x10000, s6;
	s12 =	sadd.s32 s12, s15  }
0x13: {  	s15 =	simm.s32 $0x14000;
	s23 =	sshrl.u32 s6, $0x3;
	s17 =	sadd.s32 s14, s17  }
0x14: {  	s14 =	sadd.s32 s31, s14;
	s11 =	sadd.s32 $0x4E0, s17;
	s17 =	simm.s32 $0x18080  }
.LBB2_1:
0x15: {  	[tilespmem:s15], [sflag:$0x1] =	stream.linear.gather [hbm4b:s5+s4], $0x4000, $0x38;
	[tilespmem:$0x18900] =	vst v63  }
0x16: {  	_ =	swait.ge [sflag:s16], $0x4000  }
0x17: {  	[sflag:s16] =	ssyncset.done $0x0  }
0x18: {  	[sflag:s16] =	ssyncadd.s32 $0xFFFFC000  }
0x19: {  	[spmem:s6] =	stream.linear.scatter [tilespmem:s15], [sflag:$0x1], $0x4000, $0x38;
	[tilespmem:$0x18900] =	vst v63  }
0x1a: {  	_ =	swait.ge [sflag:s16], $0x4000  }
0x1b: {  	[sflag:s16] =	ssyncset.done $0x0  }
0x1c: {  	[sflag:s16] =	ssyncadd.s32 $0xFFFFC000  }
0x1d: {  	[spmem:s7] =	stream.linear.scatter [tilespmem:s15], [sflag:$0x1], $0x4000, $0x38;
	[tilespmem:$0x18900] =	vst v63  }
0x1e: {  	_ =	swait.ge [sflag:s16], $0x4000  }
0x1f: {  	[sflag:s16] =	ssyncset.done $0x0  }
0x20: {  	[sflag:s16] =	ssyncadd.s32 $0xFFFFC000  }
0x21: {  	[spmem:s8] =	stream.linear.scatter [tilespmem:s15], [sflag:$0x1], $0x4000, $0x38;
	[tilespmem:$0x18900] =	vst v63  }
0x22: {  	_ =	swait.ge [sflag:s16], $0x4000  }
0x23: {  	[sflag:s16] =	ssyncset.done $0x0  }
0x24: {  	[sflag:s16] =	ssyncadd.s32 $0xFFFFC000  }
0x25: {  	[spmem:s9] =	stream.linear.scatter [tilespmem:s15], [sflag:$0x1], $0x4000, $0x38;
	[tilespmem:$0x18900] =	vst v63  }
0x26: {  	_ =	swait.ge [sflag:s16], $0x4000  }
0x27: {  	[sflag:s16] =	ssyncset.done $0x0  }
0x28: {  	[sflag:s16] =	ssyncadd.s32 $0xFFFFC000  }
0x29: {  	[spmem:s10] =	stream.linear.scatter [tilespmem:s15], [sflag:$0x1], $0x4000, $0x38;
	[tilespmem:$0x18900] =	vst v63  }
0x2a: {  	_ =	swait.ge [sflag:s16], $0x4000  }
0x2b: {  	[sflag:s16] =	ssyncset.done $0x0  }
0x2c: {  	[sflag:s16] =	ssyncadd.s32 $0xFFFFC000  }
0x2d: {  	[tilespmem:s15], [sflag:$0x1] =	stream.linear.gather [hbm4b:s1+s4], $0x4000, $0x38;
	[tilespmem:$0x18900] =	vst v63  }
0x2e: {  	_ =	swait.ge [sflag:s16], $0x4000  }
0x2f: {  	[sflag:s16] =	ssyncset.done $0x0  }
0x30: {  	[sflag:s16] =	ssyncadd.s32 $0xFFFFC000  }
0x31: {  	[tilespmem:s17], [sflag:$0x1] =	stream.linear.gather [hbm4b:s1+s4], $0x800, $0x38;
	[tilespmem:$0x18900] =	vst v63  }
0x32: {  	_ =	swait.ge [sflag:s16], $0x800  }
0x33: {  	[sflag:s16] =	ssyncset.done $0x0  }
0x34: {  	[sflag:s16] =	ssyncadd.s32 $0xFFFFF800  }
0x35: {  	s25 =	sadd.s32 $0x0, s14;
	[bflag:$0x0] =	sbarrier.arrive $0xFFFF  }
0x36: {  	[tilespmem:s18], [sflag:$0x1] =	stream.linear.gather [hbm4b:s25+s4], $0x80, $0x38;
	[tilespmem:$0x18900] =	vst v63  }
0x37: {  	_ =	swait.ge [sflag:s16], $0x80  }
0x38: {  	[sflag:s16] =	ssyncset.done $0x0  }
0x39: {  	[sflag:s16] =	ssyncadd.s32 $0xFFFFFF80  }
0x3a: {  	[spmem:s2] =	stream.indirect.scatter.add.f32 [tilespmem:s15], [sflag:$0x1], $0x80, s18, s19, $0xb8;
	[tilespmem:$0x18900] =	vst v63  }
0x3b: {  	_ =	swait.ge [sflag:s16], $0x4000  }
0x3c: {  	s26 =	simm.s32 $0x20;
	s25 =	simm.s32 $0x10;
	[sflag:s16] =	ssyncset.done $0x0  }
.LBB2_2:
0x3d: {  	s28 =	sadd.s32 s25, s14  }
0x3e: {  	[sflag:s16] =	ssyncadd.s32 $0xFFFFC000;
	s25 =	smov.u32 s26;
	s29 =	sadd.s32 $0x10, s26  }
0x3f: {  	[tilespmem:s18], [sflag:$0x1] =	stream.linear.gather [hbm4b:s28+s4], $0x80, $0x38;
	[tilespmem:$0x18900] =	vst v63  }
0x40: {  	p0 =	sne.s32 s26, $0x4D0;
	_ =	swait.ge [sflag:s16], $0x80  }
.Ltmp0:
0x41: {  	[sflag:s16] =	ssyncset.done $0x0;
	(pc) =	sbr.rel @p0 .LBB2_2-.Ltmp0, $4  }
0x42: {  	[sflag:s16] =	ssyncadd.s32 $0xFFFFFF80  }
0x43: {  	[spmem:s2] =	stream.indirect.scatter.add.f32 [tilespmem:s15], [sflag:$0x1], $0x80, s18, s19, $0xb8;
	[tilespmem:$0x18900] =	vst v63  }
0x44: {  	_ =	swait.ge [sflag:s16], $0x4000  }
0x45: {  	s26 =	smov.u32 s29;
	[sflag:s16] =	ssyncset.done $0x0  }
0x46: {  	s25 =	sadd.s32 s25, s14;
	[sflag:s16] =	ssyncadd.s32 $0xFFFFC000  }
0x47: {  	[tilespmem:s18], [sflag:$0x1] =	stream.linear.gather [hbm4b:s25+s4], $0x80, $0x38;
	[tilespmem:$0x18900] =	vst v63  }
0x48: {  	_ =	swait.ge [sflag:s16], $0x80  }
0x49: {  	[sflag:s16] =	ssyncset.done $0x0  }
0x4a: {  	[sflag:s16] =	ssyncadd.s32 $0xFFFFFF80  }
0x4b: {  	[spmem:s2] =	stream.indirect.scatter.add.f32 [tilespmem:s15], [sflag:$0x1], $0x80, s18, s19, $0xb8;
	[tilespmem:$0x18900] =	vst v63  }
0x4c: {  	_ =	swait.ge [sflag:s16], $0x4000  }
0x4d: {  	[sflag:s16] =	ssyncset.done $0x0  }
0x4e: {  	[sflag:s16] =	ssyncadd.s32 $0xFFFFC000  }
0x4f: {  	[tilespmem:s20], [sflag:$0x1] =	stream.linear.gather [hbm4b:s11+s4], $0x10, $0x38;
	[tilespmem:$0x18900] =	vst v63  }
0x50: {  	_ =	swait.ge [sflag:s16], $0x10  }
0x51: {  	[sflag:s16] =	ssyncset.done $0x0  }
0x52: {  	[sflag:s16] =	ssyncadd.s32 $0xFFFFFFF0  }
0x53: {  	[spmem:s2] =	stream.indirect.scatter.add.f32 [tilespmem:s17], [sflag:$0x1], $0x80, s20, s21, $0xb8;
	[tilespmem:$0x18900] =	vst v63  }
0x54: {  	_ =	swait.ge [sflag:s16], $0x800  }
0x55: {  	s24 =	sadd.s32 $0x1, s24;
	[sflag:s16] =	ssyncset.done $0x0  }
0x56: {  	p0 =	sne.s32 s24, s13;
	[sflag:s16] =	ssyncadd.s32 $0xFFFFF800  }
.Ltmp1:
0x57: {  	[bflag:$0x0] =	sbarrier.arrive $0xFFFF;
	(pc) =	sbr.rel @p0 .LBB2_1-.Ltmp1, $4  }
0x58: {  	[hbm:s12], [sflag:s22] =	dma.local [spmem:s23], $0x2800  }
0x59: {  	_ =	swait.ge [sflag:s16], $0x2800  }
0x5a: {  	[sflag:s16] =	ssyncset.done $0x0  }
0x5b: {  	[sflag:s16] =	ssyncadd.s32 $0xFFFFD800  }
0x5c: {  	_ =	sfence.sel $0x180000  }
0x5d: {  	[bflag:$0x0] =	sbarrier.arrive $0xFFFF  }
0x5e: {  	p0 =	sne.s32 s3, $0x0;
	_ =	strace $0x90000047  }
0x5f: {  	s0 =	sadd.s32 @!p0 $0x100000, s0;
	[bflag:$0x2] =	sbarrier.arrive $0xFFFF  }
0x60: {  	[sflag:s0] =	ssyncadd.tile.s32 @!p0 $0x1;
	_ =	shalt  }
.Lfunc_end2:
_tile_overlayer_lowered:
.L_overlay_start_2:
0x61: {  	(tag) =	ssettag $0x2  }
0x62: {  	s0 =	rddreg [dreg:$0x0];
	s2 =	stileid.u32  }
0x63: {  	s1 =	rddreg [dreg:$0x1];
	p0 =	sne.s32 s2, $0x0  }
0x64: {  	s3 =	rddreg [dreg:$0x2];
	[bflag:$0x3] =	sbarrier.arrive $0xFFFF;
	s2 =	simm.s32 @!p0 $0x1C01  }
0x65: {  	[timem:s3], [sflag:s2] =	dma.local @!p0 [hbm:s0], s1  }
0x66: {  	s0 =	simm.s32 @!p0 $0x1  }
0x67: {  	_ =	swait.ge @!p0 [sflag:s0], s1  }
0x68: {  	s1 =	ssub.s32 @!p0 $0x0, s1;
	[sflag:s0] =	ssyncset.done @!p0 $0x0  }
0x69: {  	[sflag:s0] =	ssyncadd.s32 @!p0 s1  }
0x6a: {  	[bflag:$0x3] =	sbarrier.arrive $0xFFFF  }
0x6b: {  	_ =	shalt  }

</sc_bundles>
